<compile_context>
chip_gen: v7x
topology: tpu7x:2x2x1
jax: 0.10.2.dev20260603
libtpu: 0.0.44.dev20260713+nightly
codegen_flags: <defaults>
</compile_context>

<pallas_src>
import functools

import jax
import jax.numpy as jnp
from jax import lax
from jax.experimental import pallas as pl
from jax.experimental.pallas import tpu as pltpu
from jax.experimental.pallas import tpu_sc as plsc

_NC = 2
_NS = 16
_CHUNK = 64
_RING = 4
_GRP = 40


def _scale_body(f_ref, n_ref, o_ref):
    o_ref[...] = f_ref[...] * n_ref[...]


def _finish_body(p_ref, n_ref, w_ref, b_ref, o_ref):
    acc = (p_ref[0] + p_ref[1]) * n_ref[...]
    z = lax.dot_general(acc, w_ref[...], (((1,), (1,)), ((), ())),
                        preferred_element_type=jnp.float32)
    o_ref[...] = jnp.tanh(z + b_ref[...])


def _sc_segment_sum_body(n_pad, kk,
                         fn_hbm, src_hbm, dst_hbm, zz_hbm, out_hbm,
                         accum_sh, sidx_v, didx_v, *ring):
    bufs = ring[:_RING]
    gsems = ring[_RING:2 * _RING]
    ssems = ring[2 * _RING:]
    c = lax.axis_index("c")
    s = lax.axis_index("s")
    rows_per_tile = n_pad // _NS
    kc = kk // 2
    base = (c * _NS + s) * kc
    ngroups = kc // _GRP
    passes = _GRP // _RING

    pltpu.sync_copy(zz_hbm, accum_sh.at[pl.ds(s * rows_per_tile, rows_per_tile)])
    plsc.subcore_barrier()

    def group(g, carry):
        off = base + g * _GRP
        pltpu.sync_copy(src_hbm.at[pl.ds(off, _GRP)], sidx_v)
        pltpu.sync_copy(dst_hbm.at[pl.ds(off, _GRP)], didx_v)

        for r in range(_RING):
            pltpu.async_copy(fn_hbm.at[sidx_v.at[r]], bufs[r], gsems[r])

        def pass_(q, c2):
            for r in range(_RING):
                j = q * _RING + r
                pltpu.make_async_copy(fn_hbm.at[sidx_v.at[j]],
                                      bufs[r], gsems[r]).wait()
                pltpu.async_copy(bufs[r], accum_sh.at[didx_v.at[j]],
                                 ssems[r], add=True)
            for r in range(_RING):
                j = q * _RING + r
                pltpu.make_async_copy(bufs[r], accum_sh.at[didx_v.at[j]],
                                      ssems[r]).wait()

                @pl.when(q < passes - 1)
                def _(r=r, j=j):
                    pltpu.async_copy(fn_hbm.at[sidx_v.at[j + _RING]],
                                     bufs[r], gsems[r])

            return c2

        lax.fori_loop(0, passes, pass_, 0)
        return carry

    lax.fori_loop(0, ngroups, group, 0)

    plsc.subcore_barrier()
    pltpu.sync_copy(accum_sh.at[pl.ds(s * rows_per_tile, rows_per_tile)],
                    out_hbm.at[c, pl.ds(s * rows_per_tile, rows_per_tile)])


def kernel(features, edge_index, norm, W, b):
    n, d = features.shape
    e = edge_index.shape[1]

    n_pad = -(-(n + 1) // (_NS * 8)) * (_NS * 8)
    kk = -(-e // (_NS * _CHUNK))
    kk = 2 * (-(-kk // (2 * _GRP)) * _GRP)
    e_pad = _NS * kk * _CHUNK

    src = edge_index[0].astype(jnp.int32)
    dst = edge_index[1].astype(jnp.int32)
    pad_i = jnp.arange(e_pad - e, dtype=jnp.int32)
    src_p = jnp.concatenate([src, pad_i % n])
    dst_p = jnp.concatenate([dst, n + pad_i % (n_pad - n)])
    src2 = src_p.reshape(_NS * kk, _CHUNK)
    dst2 = dst_p.reshape(_NS * kk, _CHUNK)
    zz = jnp.zeros((n_pad // _NS, d), jnp.float32)

    rb = 1000
    fn = pl.pallas_call(
        _scale_body,
        grid=(n // rb,),
        in_specs=[pl.BlockSpec((rb, d), lambda i: (i, 0)),
                  pl.BlockSpec((rb, 1), lambda i: (i, 0))],
        out_specs=pl.BlockSpec((rb, d), lambda i: (i, 0)),
        out_shape=jax.ShapeDtypeStruct((n, d), jnp.float32),
    )(features, norm)

    mesh = plsc.VectorSubcoreMesh(core_axis_name="c", subcore_axis_name="s")
    sc_call = pl.kernel(
        functools.partial(_sc_segment_sum_body, n_pad, kk),
        out_type=jax.ShapeDtypeStruct((_NC, n_pad, d), jnp.float32),
        mesh=mesh,
        scratch_types=[
            pltpu.VMEM_SHARED((n_pad, d), jnp.float32),
            pltpu.VMEM((_GRP, _CHUNK), jnp.int32),
            pltpu.VMEM((_GRP, _CHUNK), jnp.int32),
        ] + [pltpu.VMEM((_CHUNK, d), jnp.float32) for _ in range(_RING)]
          + [pltpu.SemaphoreType.DMA for _ in range(2 * _RING)],
    )
    partials = sc_call(fn, src2, dst2, zz)

    b2 = b.reshape(1, d)
    h = pl.pallas_call(
        _finish_body,
        grid=(n // rb,),
        in_specs=[pl.BlockSpec((2, rb, d), lambda i: (0, i, 0)),
                  pl.BlockSpec((rb, 1), lambda i: (i, 0)),
                  pl.BlockSpec((d, d), lambda i: (0, 0)),
                  pl.BlockSpec((1, d), lambda i: (0, 0))],
        out_specs=pl.BlockSpec((rb, d), lambda i: (i, 0)),
        out_shape=jax.ShapeDtypeStruct((n, d), jnp.float32),
    )(partials, norm, W, b2)
    return h

# --- scband reference (transcript-rebuilt; emitter-appended) ---
"""Pipeline reference for scband-gcnlayer-23596550324600 (READ-ONLY COPY).

The authoritative reference and input builder live on the scoring server;
editing this copy changes nothing except your own understanding.
"""

import jax, jax.numpy as jnp
import numpy as np

N_NODES = 10000
N_EDGES = 320000
D_IN = 128
D_OUT = 128

def setup_inputs(seed: int = 0) -> dict:
    key = jax.random.key(seed)
    k1, k2, k3, k4, k5 = jax.random.split(key, 5)
    features = jax.random.normal(k1, (N_NODES, D_IN), dtype=jnp.float32)
    edge_index = jax.random.randint(k2, (2, N_EDGES), 0, N_NODES, dtype=jnp.int64)
    norm = jax.random.uniform(k3, (N_NODES, 1), dtype=jnp.float32)
    # Linear layer params (PyTorch nn.Linear default init: U(-1/sqrt(fan_in), 1/sqrt(fan_in)))
    bound = 1.0 / np.sqrt(D_IN)
    W = jax.random.uniform(k4, (D_OUT, D_IN), dtype=jnp.float32, minval=-bound, maxval=bound)
    b = jax.random.uniform(k5, (D_OUT,), dtype=jnp.float32, minval=-bound, maxval=bound)
    return {"features": features, "edge_index": edge_index, "norm": norm, "W": W, "b": b}

def reference(features, edge_index, norm, W, b):
    src = edge_index[0]
    dst = edge_index[1]
    # gcn_msg: m = src_h * src_norm
    msg = features[src] * norm[src]
    # gcn_reduce: h = sum_over_mailbox(m) * dst_norm
    accum = jax.ops.segment_sum(msg, dst, num_segments=N_NODES)
    h = accum * norm
    # NodeApplyModule: linear + tanh
    h = jnp.tanh(h @ W.T + b)
    return h

if __name__ == "__main__":
    import jax
    _d = setup_inputs()
    print(jax.jit(kernel)(*tuple(_d.values())))

</pallas_src>

<mosaic_0001>
#map = affine_map<(d0, d1) -> (0, 0)>
#map1 = affine_map<(d0, d1) -> (0, 0, 0)>
module attributes {stable_mosaic.version = 14 : i64} {
  func.func @_sc_segment_sum_body(%arg0: i32, %arg1: i32, %arg2: memref<10000x128xf32, #tpu.memory_space<hbm>>, %arg3: memref<5120x64xi32, #tpu.memory_space<hbm>>, %arg4: memref<5120x64xi32, #tpu.memory_space<hbm>>, %arg5: memref<632x128xf32, #tpu.memory_space<hbm>>, %arg6: memref<2x10112x128xf32, #tpu.memory_space<hbm>>, %arg7: memref<10112x128xf32, #tpu.memory_space<vmem_shared>>, %arg8: memref<40x64xi32, #tpu.memory_space<vmem>>, %arg9: memref<40x64xi32, #tpu.memory_space<vmem>>, %arg10: memref<64x128xf32, #tpu.memory_space<vmem>>, %arg11: memref<64x128xf32, #tpu.memory_space<vmem>>, %arg12: memref<64x128xf32, #tpu.memory_space<vmem>>, %arg13: memref<64x128xf32, #tpu.memory_space<vmem>>, %arg14: memref<!tpu.dma_semaphore, #tpu.memory_space<semaphore_mem>>, %arg15: memref<!tpu.dma_semaphore, #tpu.memory_space<semaphore_mem>>, %arg16: memref<!tpu.dma_semaphore, #tpu.memory_space<semaphore_mem>>, %arg17: memref<!tpu.dma_semaphore, #tpu.memory_space<semaphore_mem>>, %arg18: memref<!tpu.dma_semaphore, #tpu.memory_space<semaphore_mem>>, %arg19: memref<!tpu.dma_semaphore, #tpu.memory_space<semaphore_mem>>, %arg20: memref<!tpu.dma_semaphore, #tpu.memory_space<semaphore_mem>>, %arg21: memref<!tpu.dma_semaphore, #tpu.memory_space<semaphore_mem>>) attributes {dimension_semantics = [#tpu.dimension_semantics<core_parallel>, #tpu.dimension_semantics<subcore_parallel>], iteration_bounds = array<i64: 2, 16>, scalar_prefetch = 0 : i64, scratch_operands = 15 : i64, tpu.core_type = #tpu.core_type<sc_vector_subcore>, window_params = [{transform_indices = #map}, {transform_indices = #map}, {transform_indices = #map}, {transform_indices = #map}, {transform_indices = #map1}]} {
    %mul3A = arith.constant 16 : i32
    %mul3A_0 = arith.muli %arg0, %mul3A : i32
    %add3A = arith.addi %mul3A_0, %arg1 : i32
    %mul3A_1 = arith.constant 160 : i32
    %mul3A_2 = arith.muli %add3A, %mul3A_1 : i32
    %mul3A_3 = arith.constant 632 : i32
    %mul3A_4 = arith.muli %arg1, %mul3A_3 : i32
    "tpu.region"() ({
      %run_scoped3A = tpu.sem_alloc : memref<!tpu.dma_semaphore, #tpu.memory_space<semaphore_mem>>
      %dma_start3A = arith.constant 0 : i32
      %dma_start3A_15 = tpu.memref_slice %arg7[%mul3A_4, %dma_start3A] : memref<10112x128xf32, #tpu.memory_space<vmem_shared>> -> memref<632x128xf32, #tpu.memory_space<vmem_shared>>
      tpu.enqueue_dma source(%arg5 : memref<632x128xf32, #tpu.memory_space<hbm>>) target(%dma_start3A_15 : memref<632x128xf32, #tpu.memory_space<vmem_shared>>) target_semaphore(%run_scoped3A : memref<!tpu.dma_semaphore, #tpu.memory_space<semaphore_mem>>)
      %dma_wait3A = arith.constant 0 : i32
      %dma_wait3A_16 = tpu.memref_slice %arg7[%mul3A_4, %dma_wait3A] : memref<10112x128xf32, #tpu.memory_space<vmem_shared>> -> memref<632x128xf32, #tpu.memory_space<vmem_shared>>
      tpu.wait_dma2 semaphore(%run_scoped3A : memref<!tpu.dma_semaphore, #tpu.memory_space<semaphore_mem>>) src(%arg5 : memref<632x128xf32, #tpu.memory_space<hbm>>) dst(%dma_wait3A_16 : memref<632x128xf32, #tpu.memory_space<vmem_shared>>)
      tpu.yield
    }) : () -> ()
    %barrier3A = arith.constant 0 : index
    tpu.barrier barrier_id(%barrier3A)
    %scan3A = arith.constant 0 : i32
    %scan3A_5 = arith.constant 0 : i32
    %scan3A_6 = arith.constant 4 : i32
    %scan3A_7 = arith.addi %scan3A_5, %scan3A_6 : i32
    %scan3A_8 = arith.constant 1 : i32
    scf.for %scan3A_15 = %scan3A_5 to %scan3A_7 step %scan3A_8  : i32 {
      %mul3A_16 = arith.constant 40 : i32
      %mul3A_17 = arith.muli %scan3A_15, %mul3A_16 : i32
      %add3A_18 = arith.addi %mul3A_2, %mul3A_17 : i32
      "tpu.region"() ({
        %run_scoped3A = tpu.sem_alloc : memref<!tpu.dma_semaphore, #tpu.memory_space<semaphore_mem>>
        %dma_start3A_52 = arith.constant 0 : i32
        %dma_start3A_53 = tpu.memref_slice %arg3[%add3A_18, %dma_start3A_52] : memref<5120x64xi32, #tpu.memory_space<hbm>> -> memref<40x64xi32, #tpu.memory_space<hbm>>
        %dma_start3A_54 = arith.constant 0 : i32
        %dma_start3A_55 = tpu.memref_slice %arg3[%add3A_18, %dma_start3A_54] : memref<5120x64xi32, #tpu.memory_space<hbm>> -> memref<40x64xi32, #tpu.memory_space<hbm>>
        tpu.enqueue_dma source(%dma_start3A_55 : memref<40x64xi32, #tpu.memory_space<hbm>>) target(%arg8 : memref<40x64xi32, #tpu.memory_space<vmem>>) target_semaphore(%run_scoped3A : memref<!tpu.dma_semaphore, #tpu.memory_space<semaphore_mem>>)
        %dma_wait3A = arith.constant 0 : i32
        %dma_wait3A_56 = tpu.memref_slice %arg3[%add3A_18, %dma_wait3A] : memref<5120x64xi32, #tpu.memory_space<hbm>> -> memref<40x64xi32, #tpu.memory_space<hbm>>
        %dma_wait3A_57 = arith.constant 0 : i32
        %dma_wait3A_58 = tpu.memref_slice %arg3[%add3A_18, %dma_wait3A_57] : memref<5120x64xi32, #tpu.memory_space<hbm>> -> memref<40x64xi32, #tpu.memory_space<hbm>>
        tpu.wait_dma2 semaphore(%run_scoped3A : memref<!tpu.dma_semaphore, #tpu.memory_space<semaphore_mem>>) src(%dma_wait3A_58 : memref<40x64xi32, #tpu.memory_space<hbm>>) dst(%arg8 : memref<40x64xi32, #tpu.memory_space<vmem>>)
        tpu.yield
      }) : () -> ()
      "tpu.region"() ({
        %run_scoped3A = tpu.sem_alloc : memref<!tpu.dma_semaphore, #tpu.memory_space<semaphore_mem>>
        %dma_start3A_52 = arith.constant 0 : i32
        %dma_start3A_53 = tpu.memref_slice %arg4[%add3A_18, %dma_start3A_52] : memref<5120x64xi32, #tpu.memory_space<hbm>> -> memref<40x64xi32, #tpu.memory_space<hbm>>
        %dma_start3A_54 = arith.constant 0 : i32
        %dma_start3A_55 = tpu.memref_slice %arg4[%add3A_18, %dma_start3A_54] : memref<5120x64xi32, #tpu.memory_space<hbm>> -> memref<40x64xi32, #tpu.memory_space<hbm>>
        tpu.enqueue_dma source(%dma_start3A_55 : memref<40x64xi32, #tpu.memory_space<hbm>>) target(%arg9 : memref<40x64xi32, #tpu.memory_space<vmem>>) target_semaphore(%run_scoped3A : memref<!tpu.dma_semaphore, #tpu.memory_space<semaphore_mem>>)
        %dma_wait3A = arith.constant 0 : i32
        %dma_wait3A_56 = tpu.memref_slice %arg4[%add3A_18, %dma_wait3A] : memref<5120x64xi32, #tpu.memory_space<hbm>> -> memref<40x64xi32, #tpu.memory_space<hbm>>
        %dma_wait3A_57 = arith.constant 0 : i32
        %dma_wait3A_58 = tpu.memref_slice %arg4[%add3A_18, %dma_wait3A_57] : memref<5120x64xi32, #tpu.memory_space<hbm>> -> memref<40x64xi32, #tpu.memory_space<hbm>>
        tpu.wait_dma2 semaphore(%run_scoped3A : memref<!tpu.dma_semaphore, #tpu.memory_space<semaphore_mem>>) src(%dma_wait3A_58 : memref<40x64xi32, #tpu.memory_space<hbm>>) dst(%arg9 : memref<40x64xi32, #tpu.memory_space<vmem>>)
        tpu.yield
      }) : () -> ()
      %dma_start3A = arith.constant 0 : i32
      %dma_start3A_19 = arith.constant 0 : i32
      %dma_start3A_20 = tpu.memref_slice %arg8[%dma_start3A, %dma_start3A_19] : memref<40x64xi32, #tpu.memory_space<vmem>> -> memref<1x64xi32, #tpu.memory_space<vmem>>
      %dma_start3A_21 = tpu.memref_squeeze %dma_start3A_20 : memref<1x64xi32, #tpu.memory_space<vmem>> -> memref<64xi32, #tpu.memory_space<vmem>>
      %dma_start3A_22 = arith.constant 0 : i32
      %dma_start3A_23 = arith.constant 0 : i32
      %dma_start3A_24 = tpu.memref_slice %arg2[%dma_start3A_22, %dma_start3A_23] : memref<10000x128xf32, #tpu.memory_space<hbm>> -> memref<10000x128xf32, #tpu.memory_space<hbm>>
      tpu.enqueue_indirect_dma source(%dma_start3A_24 : memref<10000x128xf32, #tpu.memory_space<hbm>>) target(%arg10 : memref<64x128xf32, #tpu.memory_space<vmem>>) offsets(%dma_start3A_21 : memref<64xi32, #tpu.memory_space<vmem>>) semaphore(%arg14 : memref<!tpu.dma_semaphore, #tpu.memory_space<semaphore_mem>>)
      %dma_start3A_25 = arith.constant 1 : i32
      %dma_start3A_26 = arith.constant 0 : i32
      %dma_start3A_27 = tpu.memref_slice %arg8[%dma_start3A_25, %dma_start3A_26] : memref<40x64xi32, #tpu.memory_space<vmem>> -> memref<1x64xi32, #tpu.memory_space<vmem>>
      %dma_start3A_28 = tpu.memref_squeeze %dma_start3A_27 : memref<1x64xi32, #tpu.memory_space<vmem>> -> memref<64xi32, #tpu.memory_space<vmem>>
      %dma_start3A_29 = arith.constant 0 : i32
      %dma_start3A_30 = arith.constant 0 : i32
      %dma_start3A_31 = tpu.memref_slice %arg2[%dma_start3A_29, %dma_start3A_30] : memref<10000x128xf32, #tpu.memory_space<hbm>> -> memref<10000x128xf32, #tpu.memory_space<hbm>>
      tpu.enqueue_indirect_dma source(%dma_start3A_31 : memref<10000x128xf32, #tpu.memory_space<hbm>>) target(%arg11 : memref<64x128xf32, #tpu.memory_space<vmem>>) offsets(%dma_start3A_28 : memref<64xi32, #tpu.memory_space<vmem>>) semaphore(%arg15 : memref<!tpu.dma_semaphore, #tpu.memory_space<semaphore_mem>>)
      %dma_start3A_32 = arith.constant 2 : i32
      %dma_start3A_33 = arith.constant 0 : i32
      %dma_start3A_34 = tpu.memref_slice %arg8[%dma_start3A_32, %dma_start3A_33] : memref<40x64xi32, #tpu.memory_space<vmem>> -> memref<1x64xi32, #tpu.memory_space<vmem>>
      %dma_start3A_35 = tpu.memref_squeeze %dma_start3A_34 : memref<1x64xi32, #tpu.memory_space<vmem>> -> memref<64xi32, #tpu.memory_space<vmem>>
      %dma_start3A_36 = arith.constant 0 : i32
      %dma_start3A_37 = arith.constant 0 : i32
      %dma_start3A_38 = tpu.memref_slice %arg2[%dma_start3A_36, %dma_start3A_37] : memref<10000x128xf32, #tpu.memory_space<hbm>> -> memref<10000x128xf32, #tpu.memory_space<hbm>>
      tpu.enqueue_indirect_dma source(%dma_start3A_38 : memref<10000x128xf32, #tpu.memory_space<hbm>>) target(%arg12 : memref<64x128xf32, #tpu.memory_space<vmem>>) offsets(%dma_start3A_35 : memref<64xi32, #tpu.memory_space<vmem>>) semaphore(%arg16 : memref<!tpu.dma_semaphore, #tpu.memory_space<semaphore_mem>>)
      %dma_start3A_39 = arith.constant 3 : i32
      %dma_start3A_40 = arith.constant 0 : i32
      %dma_start3A_41 = tpu.memref_slice %arg8[%dma_start3A_39, %dma_start3A_40] : memref<40x64xi32, #tpu.memory_space<vmem>> -> memref<1x64xi32, #tpu.memory_space<vmem>>
      %dma_start3A_42 = tpu.memref_squeeze %dma_start3A_41 : memref<1x64xi32, #tpu.memory_space<vmem>> -> memref<64xi32, #tpu.memory_space<vmem>>
      %dma_start3A_43 = arith.constant 0 : i32
      %dma_start3A_44 = arith.constant 0 : i32
      %dma_start3A_45 = tpu.memref_slice %arg2[%dma_start3A_43, %dma_start3A_44] : memref<10000x128xf32, #tpu.memory_space<hbm>> -> memref<10000x128xf32, #tpu.memory_space<hbm>>
      tpu.enqueue_indirect_dma source(%dma_start3A_45 : memref<10000x128xf32, #tpu.memory_space<hbm>>) target(%arg13 : memref<64x128xf32, #tpu.memory_space<vmem>>) offsets(%dma_start3A_42 : memref<64xi32, #tpu.memory_space<vmem>>) semaphore(%arg17 : memref<!tpu.dma_semaphore, #tpu.memory_space<semaphore_mem>>)
      %scan3A_46 = arith.constant 0 : i32
      %scan3A_47 = arith.constant 0 : i32
      %scan3A_48 = arith.constant 10 : i32
      %scan3A_49 = arith.addi %scan3A_47, %scan3A_48 : i32
      %scan3A_50 = arith.constant 1 : i32
      scf.for %scan3A_52 = %scan3A_47 to %scan3A_49 step %scan3A_50  : i32 {
        %mul3A_53 = arith.constant 4 : i32
        %mul3A_54 = arith.muli %scan3A_52, %mul3A_53 : i32
        %add3A_55 = arith.constant 0 : i32
        %add3A_56 = arith.addi %mul3A_54, %add3A_55 : i32
        %dma_wait3A = arith.constant 0 : i32
        %dma_wait3A_57 = tpu.memref_slice %arg8[%add3A_56, %dma_wait3A] : memref<40x64xi32, #tpu.memory_space<vmem>> -> memref<1x64xi32, #tpu.memory_space<vmem>>
        %dma_wait3A_58 = tpu.memref_squeeze %dma_wait3A_57 : memref<1x64xi32, #tpu.memory_space<vmem>> -> memref<64xi32, #tpu.memory_space<vmem>>
        %dma_wait3A_59 = arith.constant 0 : i32
        %dma_wait3A_60 = arith.constant 0 : i32
        %dma_wait3A_61 = tpu.memref_slice %arg2[%dma_wait3A_59, %dma_wait3A_60] : memref<10000x128xf32, #tpu.memory_space<hbm>> -> memref<10000x128xf32, #tpu.memory_space<hbm>>
        tpu.wait_indirect_dma semaphore(%arg14 : memref<!tpu.dma_semaphore, #tpu.memory_space<semaphore_mem>>) src(%dma_wait3A_61 : memref<10000x128xf32, #tpu.memory_space<hbm>>) dst(%arg10 : memref<64x128xf32, #tpu.memory_space<vmem>>)
        %dma_start3A_62 = arith.constant 0 : i32
        %dma_start3A_63 = tpu.memref_slice %arg9[%add3A_56, %dma_start3A_62] : memref<40x64xi32, #tpu.memory_space<vmem>> -> memref<1x64xi32, #tpu.memory_space<vmem>>
        %dma_start3A_64 = tpu.memref_squeeze %dma_start3A_63 : memref<1x64xi32, #tpu.memory_space<vmem>> -> memref<64xi32, #tpu.memory_space<vmem>>
        %dma_start3A_65 = arith.constant 0 : i32
        %dma_start3A_66 = arith.constant 0 : i32
        %dma_start3A_67 = tpu.memref_slice %arg7[%dma_start3A_65, %dma_start3A_66] : memref<10112x128xf32, #tpu.memory_space<vmem_shared>> -> memref<10112x128xf32, #tpu.memory_space<vmem_shared>>
        tpu.enqueue_indirect_dma source(%arg10 : memref<64x128xf32, #tpu.memory_space<vmem>>) target(%dma_start3A_67 : memref<10112x128xf32, #tpu.memory_space<vmem_shared>>) offsets(%dma_start3A_64 : memref<64xi32, #tpu.memory_space<vmem>>) semaphore(%arg18 : memref<!tpu.dma_semaphore, #tpu.memory_space<semaphore_mem>>) {add = true}
        %mul3A_68 = arith.constant 4 : i32
        %mul3A_69 = arith.muli %scan3A_52, %mul3A_68 : i32
        %add3A_70 = arith.constant 1 : i32
        %add3A_71 = arith.addi %mul3A_69, %add3A_70 : i32
        %dma_wait3A_72 = arith.constant 0 : i32
        %dma_wait3A_73 = tpu.memref_slice %arg8[%add3A_71, %dma_wait3A_72] : memref<40x64xi32, #tpu.memory_space<vmem>> -> memref<1x64xi32, #tpu.memory_space<vmem>>
        %dma_wait3A_74 = tpu.memref_squeeze %dma_wait3A_73 : memref<1x64xi32, #tpu.memory_space<vmem>> -> memref<64xi32, #tpu.memory_space<vmem>>
        %dma_wait3A_75 = arith.constant 0 : i32
        %dma_wait3A_76 = arith.constant 0 : i32
        %dma_wait3A_77 = tpu.memref_slice %arg2[%dma_wait3A_75, %dma_wait3A_76] : memref<10000x128xf32, #tpu.memory_space<hbm>> -> memref<10000x128xf32, #tpu.memory_space<hbm>>
        tpu.wait_indirect_dma semaphore(%arg15 : memref<!tpu.dma_semaphore, #tpu.memory_space<semaphore_mem>>) src(%dma_wait3A_77 : memref<10000x128xf32, #tpu.memory_space<hbm>>) dst(%arg11 : memref<64x128xf32, #tpu.memory_space<vmem>>)
        %dma_start3A_78 = arith.constant 0 : i32
        %dma_start3A_79 = tpu.memref_slice %arg9[%add3A_71, %dma_start3A_78] : memref<40x64xi32, #tpu.memory_space<vmem>> -> memref<1x64xi32, #tpu.memory_space<vmem>>
        %dma_start3A_80 = tpu.memref_squeeze %dma_start3A_79 : memref<1x64xi32, #tpu.memory_space<vmem>> -> memref<64xi32, #tpu.memory_space<vmem>>
        %dma_start3A_81 = arith.constant 0 : i32
        %dma_start3A_82 = arith.constant 0 : i32
        %dma_start3A_83 = tpu.memref_slice %arg7[%dma_start3A_81, %dma_start3A_82] : memref<10112x128xf32, #tpu.memory_space<vmem_shared>> -> memref<10112x128xf32, #tpu.memory_space<vmem_shared>>
        tpu.enqueue_indirect_dma source(%arg11 : memref<64x128xf32, #tpu.memory_space<vmem>>) target(%dma_start3A_83 : memref<10112x128xf32, #tpu.memory_space<vmem_shared>>) offsets(%dma_start3A_80 : memref<64xi32, #tpu.memory_space<vmem>>) semaphore(%arg19 : memref<!tpu.dma_semaphore, #tpu.memory_space<semaphore_mem>>) {add = true}
        %mul3A_84 = arith.constant 4 : i32
        %mul3A_85 = arith.muli %scan3A_52, %mul3A_84 : i32
        %add3A_86 = arith.constant 2 : i32
        %add3A_87 = arith.addi %mul3A_85, %add3A_86 : i32
        %dma_wait3A_88 = arith.constant 0 : i32
        %dma_wait3A_89 = tpu.memref_slice %arg8[%add3A_87, %dma_wait3A_88] : memref<40x64xi32, #tpu.memory_space<vmem>> -> memref<1x64xi32, #tpu.memory_space<vmem>>
        %dma_wait3A_90 = tpu.memref_squeeze %dma_wait3A_89 : memref<1x64xi32, #tpu.memory_space<vmem>> -> memref<64xi32, #tpu.memory_space<vmem>>
        %dma_wait3A_91 = arith.constant 0 : i32
        %dma_wait3A_92 = arith.constant 0 : i32
        %dma_wait3A_93 = tpu.memref_slice %arg2[%dma_wait3A_91, %dma_wait3A_92] : memref<10000x128xf32, #tpu.memory_space<hbm>> -> memref<10000x128xf32, #tpu.memory_space<hbm>>
        tpu.wait_indirect_dma semaphore(%arg16 : memref<!tpu.dma_semaphore, #tpu.memory_space<semaphore_mem>>) src(%dma_wait3A_93 : memref<10000x128xf32, #tpu.memory_space<hbm>>) dst(%arg12 : memref<64x128xf32, #tpu.memory_space<vmem>>)
        %dma_start3A_94 = arith.constant 0 : i32
        %dma_start3A_95 = tpu.memref_slice %arg9[%add3A_87, %dma_start3A_94] : memref<40x64xi32, #tpu.memory_space<vmem>> -> memref<1x64xi32, #tpu.memory_space<vmem>>
        %dma_start3A_96 = tpu.memref_squeeze %dma_start3A_95 : memref<1x64xi32, #tpu.memory_space<vmem>> -> memref<64xi32, #tpu.memory_space<vmem>>
        %dma_start3A_97 = arith.constant 0 : i32
        %dma_start3A_98 = arith.constant 0 : i32
        %dma_start3A_99 = tpu.memref_slice %arg7[%dma_start3A_97, %dma_start3A_98] : memref<10112x128xf32, #tpu.memory_space<vmem_shared>> -> memref<10112x128xf32, #tpu.memory_space<vmem_shared>>
        tpu.enqueue_indirect_dma source(%arg12 : memref<64x128xf32, #tpu.memory_space<vmem>>) target(%dma_start3A_99 : memref<10112x128xf32, #tpu.memory_space<vmem_shared>>) offsets(%dma_start3A_96 : memref<64xi32, #tpu.memory_space<vmem>>) semaphore(%arg20 : memref<!tpu.dma_semaphore, #tpu.memory_space<semaphore_mem>>) {add = true}
        %mul3A_100 = arith.constant 4 : i32
        %mul3A_101 = arith.muli %scan3A_52, %mul3A_100 : i32
        %add3A_102 = arith.constant 3 : i32
        %add3A_103 = arith.addi %mul3A_101, %add3A_102 : i32
        %dma_wait3A_104 = arith.constant 0 : i32
        %dma_wait3A_105 = tpu.memref_slice %arg8[%add3A_103, %dma_wait3A_104] : memref<40x64xi32, #tpu.memory_space<vmem>> -> memref<1x64xi32, #tpu.memory_space<vmem>>
        %dma_wait3A_106 = tpu.memref_squeeze %dma_wait3A_105 : memref<1x64xi32, #tpu.memory_space<vmem>> -> memref<64xi32, #tpu.memory_space<vmem>>
        %dma_wait3A_107 = arith.constant 0 : i32
        %dma_wait3A_108 = arith.constant 0 : i32
        %dma_wait3A_109 = tpu.memref_slice %arg2[%dma_wait3A_107, %dma_wait3A_108] : memref<10000x128xf32, #tpu.memory_space<hbm>> -> memref<10000x128xf32, #tpu.memory_space<hbm>>
        tpu.wait_indirect_dma semaphore(%arg17 : memref<!tpu.dma_semaphore, #tpu.memory_space<semaphore_mem>>) src(%dma_wait3A_109 : memref<10000x128xf32, #tpu.memory_space<hbm>>) dst(%arg13 : memref<64x128xf32, #tpu.memory_space<vmem>>)
        %dma_start3A_110 = arith.constant 0 : i32
        %dma_start3A_111 = tpu.memref_slice %arg9[%add3A_103, %dma_start3A_110] : memref<40x64xi32, #tpu.memory_space<vmem>> -> memref<1x64xi32, #tpu.memory_space<vmem>>
        %dma_start3A_112 = tpu.memref_squeeze %dma_start3A_111 : memref<1x64xi32, #tpu.memory_space<vmem>> -> memref<64xi32, #tpu.memory_space<vmem>>
        %dma_start3A_113 = arith.constant 0 : i32
        %dma_start3A_114 = arith.constant 0 : i32
        %dma_start3A_115 = tpu.memref_slice %arg7[%dma_start3A_113, %dma_start3A_114] : memref<10112x128xf32, #tpu.memory_space<vmem_shared>> -> memref<10112x128xf32, #tpu.memory_space<vmem_shared>>
        tpu.enqueue_indirect_dma source(%arg13 : memref<64x128xf32, #tpu.memory_space<vmem>>) target(%dma_start3A_115 : memref<10112x128xf32, #tpu.memory_space<vmem_shared>>) offsets(%dma_start3A_112 : memref<64xi32, #tpu.memory_space<vmem>>) semaphore(%arg21 : memref<!tpu.dma_semaphore, #tpu.memory_space<semaphore_mem>>) {add = true}
        %mul3A_116 = arith.constant 4 : i32
        %mul3A_117 = arith.muli %scan3A_52, %mul3A_116 : i32
        %add3A_118 = arith.constant 0 : i32
        %add3A_119 = arith.addi %mul3A_117, %add3A_118 : i32
        %dma_wait3A_120 = arith.constant 0 : i32
        %dma_wait3A_121 = tpu.memref_slice %arg9[%add3A_119, %dma_wait3A_120] : memref<40x64xi32, #tpu.memory_space<vmem>> -> memref<1x64xi32, #tpu.memory_space<vmem>>
        %dma_wait3A_122 = tpu.memref_squeeze %dma_wait3A_121 : memref<1x64xi32, #tpu.memory_space<vmem>> -> memref<64xi32, #tpu.memory_space<vmem>>
        %dma_wait3A_123 = arith.constant 0 : i32
        %dma_wait3A_124 = arith.constant 0 : i32
        %dma_wait3A_125 = tpu.memref_slice %arg7[%dma_wait3A_123, %dma_wait3A_124] : memref<10112x128xf32, #tpu.memory_space<vmem_shared>> -> memref<10112x128xf32, #tpu.memory_space<vmem_shared>>
        tpu.wait_indirect_dma semaphore(%arg18 : memref<!tpu.dma_semaphore, #tpu.memory_space<semaphore_mem>>) src(%arg10 : memref<64x128xf32, #tpu.memory_space<vmem>>) dst(%dma_wait3A_125 : memref<10112x128xf32, #tpu.memory_space<vmem_shared>>)
        %lt3A = arith.constant 9 : i32
        %lt3A_126 = arith.cmpi slt, %scan3A_52, %lt3A : i32
        %convert_element_type3A = arith.extui %lt3A_126 : i1 to i32
        %cond3A = arith.constant 0 : i32
        %cond3A_127 = arith.cmpi ne, %convert_element_type3A, %cond3A : i32
        scf.if %cond3A_127 {
          %add3A_173 = arith.constant 4 : i32
          %add3A_174 = arith.addi %add3A_119, %add3A_173 : i32
          %dma_start3A_175 = arith.constant 0 : i32
          %dma_start3A_176 = tpu.memref_slice %arg8[%add3A_174, %dma_start3A_175] : memref<40x64xi32, #tpu.memory_space<vmem>> -> memref<1x64xi32, #tpu.memory_space<vmem>>
          %dma_start3A_177 = tpu.memref_squeeze %dma_start3A_176 : memref<1x64xi32, #tpu.memory_space<vmem>> -> memref<64xi32, #tpu.memory_space<vmem>>
          %dma_start3A_178 = arith.constant 0 : i32
          %dma_start3A_179 = arith.constant 0 : i32
          %dma_start3A_180 = tpu.memref_slice %arg2[%dma_start3A_178, %dma_start3A_179] : memref<10000x128xf32, #tpu.memory_space<hbm>> -> memref<10000x128xf32, #tpu.memory_space<hbm>>
          tpu.enqueue_indirect_dma source(%dma_start3A_180 : memref<10000x128xf32, #tpu.memory_space<hbm>>) target(%arg10 : memref<64x128xf32, #tpu.memory_space<vmem>>) offsets(%dma_start3A_177 : memref<64xi32, #tpu.memory_space<vmem>>) semaphore(%arg14 : memref<!tpu.dma_semaphore, #tpu.memory_space<semaphore_mem>>)
        } else {
        }
        %mul3A_128 = arith.constant 4 : i32
        %mul3A_129 = arith.muli %scan3A_52, %mul3A_128 : i32
        %add3A_130 = arith.constant 1 : i32
        %add3A_131 = arith.addi %mul3A_129, %add3A_130 : i32
        %dma_wait3A_132 = arith.constant 0 : i32
        %dma_wait3A_133 = tpu.memref_slice %arg9[%add3A_131, %dma_wait3A_132] : memref<40x64xi32, #tpu.memory_space<vmem>> -> memref<1x64xi32, #tpu.memory_space<vmem>>
        %dma_wait3A_134 = tpu.memref_squeeze %dma_wait3A_133 : memref<1x64xi32, #tpu.memory_space<vmem>> -> memref<64xi32, #tpu.memory_space<vmem>>
        %dma_wait3A_135 = arith.constant 0 : i32
        %dma_wait3A_136 = arith.constant 0 : i32
        %dma_wait3A_137 = tpu.memref_slice %arg7[%dma_wait3A_135, %dma_wait3A_136] : memref<10112x128xf32, #tpu.memory_space<vmem_shared>> -> memref<10112x128xf32, #tpu.memory_space<vmem_shared>>
        tpu.wait_indirect_dma semaphore(%arg19 : memref<!tpu.dma_semaphore, #tpu.memory_space<semaphore_mem>>) src(%arg11 : memref<64x128xf32, #tpu.memory_space<vmem>>) dst(%dma_wait3A_137 : memref<10112x128xf32, #tpu.memory_space<vmem_shared>>)
        %lt3A_138 = arith.constant 9 : i32
        %lt3A_139 = arith.cmpi slt, %scan3A_52, %lt3A_138 : i32
        %convert_element_type3A_140 = arith.extui %lt3A_139 : i1 to i32
        %cond3A_141 = arith.constant 0 : i32
        %cond3A_142 = arith.cmpi ne, %convert_element_type3A_140, %cond3A_141 : i32
        scf.if %cond3A_142 {
          %add3A_173 = arith.constant 4 : i32
          %add3A_174 = arith.addi %add3A_131, %add3A_173 : i32
          %dma_start3A_175 = arith.constant 0 : i32
          %dma_start3A_176 = tpu.memref_slice %arg8[%add3A_174, %dma_start3A_175] : memref<40x64xi32, #tpu.memory_space<vmem>> -> memref<1x64xi32, #tpu.memory_space<vmem>>
          %dma_start3A_177 = tpu.memref_squeeze %dma_start3A_176 : memref<1x64xi32, #tpu.memory_space<vmem>> -> memref<64xi32, #tpu.memory_space<vmem>>
          %dma_start3A_178 = arith.constant 0 : i32
          %dma_start3A_179 = arith.constant 0 : i32
          %dma_start3A_180 = tpu.memref_slice %arg2[%dma_start3A_178, %dma_start3A_179] : memref<10000x128xf32, #tpu.memory_space<hbm>> -> memref<10000x128xf32, #tpu.memory_space<hbm>>
          tpu.enqueue_indirect_dma source(%dma_start3A_180 : memref<10000x128xf32, #tpu.memory_space<hbm>>) target(%arg11 : memref<64x128xf32, #tpu.memory_space<vmem>>) offsets(%dma_start3A_177 : memref<64xi32, #tpu.memory_space<vmem>>) semaphore(%arg15 : memref<!tpu.dma_semaphore, #tpu.memory_space<semaphore_mem>>)
        } else {
        }
        %mul3A_143 = arith.constant 4 : i32
        %mul3A_144 = arith.muli %scan3A_52, %mul3A_143 : i32
        %add3A_145 = arith.constant 2 : i32
        %add3A_146 = arith.addi %mul3A_144, %add3A_145 : i32
        %dma_wait3A_147 = arith.constant 0 : i32
        %dma_wait3A_148 = tpu.memref_slice %arg9[%add3A_146, %dma_wait3A_147] : memref<40x64xi32, #tpu.memory_space<vmem>> -> memref<1x64xi32, #tpu.memory_space<vmem>>
        %dma_wait3A_149 = tpu.memref_squeeze %dma_wait3A_148 : memref<1x64xi32, #tpu.memory_space<vmem>> -> memref<64xi32, #tpu.memory_space<vmem>>
        %dma_wait3A_150 = arith.constant 0 : i32
        %dma_wait3A_151 = arith.constant 0 : i32
        %dma_wait3A_152 = tpu.memref_slice %arg7[%dma_wait3A_150, %dma_wait3A_151] : memref<10112x128xf32, #tpu.memory_space<vmem_shared>> -> memref<10112x128xf32, #tpu.memory_space<vmem_shared>>
        tpu.wait_indirect_dma semaphore(%arg20 : memref<!tpu.dma_semaphore, #tpu.memory_space<semaphore_mem>>) src(%arg12 : memref<64x128xf32, #tpu.memory_space<vmem>>) dst(%dma_wait3A_152 : memref<10112x128xf32, #tpu.memory_space<vmem_shared>>)
        %lt3A_153 = arith.constant 9 : i32
        %lt3A_154 = arith.cmpi slt, %scan3A_52, %lt3A_153 : i32
        %convert_element_type3A_155 = arith.extui %lt3A_154 : i1 to i32
        %cond3A_156 = arith.constant 0 : i32
        %cond3A_157 = arith.cmpi ne, %convert_element_type3A_155, %cond3A_156 : i32
        scf.if %cond3A_157 {
          %add3A_173 = arith.constant 4 : i32
          %add3A_174 = arith.addi %add3A_146, %add3A_173 : i32
          %dma_start3A_175 = arith.constant 0 : i32
          %dma_start3A_176 = tpu.memref_slice %arg8[%add3A_174, %dma_start3A_175] : memref<40x64xi32, #tpu.memory_space<vmem>> -> memref<1x64xi32, #tpu.memory_space<vmem>>
          %dma_start3A_177 = tpu.memref_squeeze %dma_start3A_176 : memref<1x64xi32, #tpu.memory_space<vmem>> -> memref<64xi32, #tpu.memory_space<vmem>>
          %dma_start3A_178 = arith.constant 0 : i32
          %dma_start3A_179 = arith.constant 0 : i32
          %dma_start3A_180 = tpu.memref_slice %arg2[%dma_start3A_178, %dma_start3A_179] : memref<10000x128xf32, #tpu.memory_space<hbm>> -> memref<10000x128xf32, #tpu.memory_space<hbm>>
          tpu.enqueue_indirect_dma source(%dma_start3A_180 : memref<10000x128xf32, #tpu.memory_space<hbm>>) target(%arg12 : memref<64x128xf32, #tpu.memory_space<vmem>>) offsets(%dma_start3A_177 : memref<64xi32, #tpu.memory_space<vmem>>) semaphore(%arg16 : memref<!tpu.dma_semaphore, #tpu.memory_space<semaphore_mem>>)
        } else {
        }
        %mul3A_158 = arith.constant 4 : i32
        %mul3A_159 = arith.muli %scan3A_52, %mul3A_158 : i32
        %add3A_160 = arith.constant 3 : i32
        %add3A_161 = arith.addi %mul3A_159, %add3A_160 : i32
        %dma_wait3A_162 = arith.constant 0 : i32
        %dma_wait3A_163 = tpu.memref_slice %arg9[%add3A_161, %dma_wait3A_162] : memref<40x64xi32, #tpu.memory_space<vmem>> -> memref<1x64xi32, #tpu.memory_space<vmem>>
        %dma_wait3A_164 = tpu.memref_squeeze %dma_wait3A_163 : memref<1x64xi32, #tpu.memory_space<vmem>> -> memref<64xi32, #tpu.memory_space<vmem>>
        %dma_wait3A_165 = arith.constant 0 : i32
        %dma_wait3A_166 = arith.constant 0 : i32
        %dma_wait3A_167 = tpu.memref_slice %arg7[%dma_wait3A_165, %dma_wait3A_166] : memref<10112x128xf32, #tpu.memory_space<vmem_shared>> -> memref<10112x128xf32, #tpu.memory_space<vmem_shared>>
        tpu.wait_indirect_dma semaphore(%arg21 : memref<!tpu.dma_semaphore, #tpu.memory_space<semaphore_mem>>) src(%arg13 : memref<64x128xf32, #tpu.memory_space<vmem>>) dst(%dma_wait3A_167 : memref<10112x128xf32, #tpu.memory_space<vmem_shared>>)
        %lt3A_168 = arith.constant 9 : i32
        %lt3A_169 = arith.cmpi slt, %scan3A_52, %lt3A_168 : i32
        %convert_element_type3A_170 = arith.extui %lt3A_169 : i1 to i32
        %cond3A_171 = arith.constant 0 : i32
        %cond3A_172 = arith.cmpi ne, %convert_element_type3A_170, %cond3A_171 : i32
        scf.if %cond3A_172 {
          %add3A_173 = arith.constant 4 : i32
          %add3A_174 = arith.addi %add3A_161, %add3A_173 : i32
          %dma_start3A_175 = arith.constant 0 : i32
          %dma_start3A_176 = tpu.memref_slice %arg8[%add3A_174, %dma_start3A_175] : memref<40x64xi32, #tpu.memory_space<vmem>> -> memref<1x64xi32, #tpu.memory_space<vmem>>
          %dma_start3A_177 = tpu.memref_squeeze %dma_start3A_176 : memref<1x64xi32, #tpu.memory_space<vmem>> -> memref<64xi32, #tpu.memory_space<vmem>>
          %dma_start3A_178 = arith.constant 0 : i32
          %dma_start3A_179 = arith.constant 0 : i32
          %dma_start3A_180 = tpu.memref_slice %arg2[%dma_start3A_178, %dma_start3A_179] : memref<10000x128xf32, #tpu.memory_space<hbm>> -> memref<10000x128xf32, #tpu.memory_space<hbm>>
          tpu.enqueue_indirect_dma source(%dma_start3A_180 : memref<10000x128xf32, #tpu.memory_space<hbm>>) target(%arg13 : memref<64x128xf32, #tpu.memory_space<vmem>>) offsets(%dma_start3A_177 : memref<64xi32, #tpu.memory_space<vmem>>) semaphore(%arg17 : memref<!tpu.dma_semaphore, #tpu.memory_space<semaphore_mem>>)
        } else {
        }
      }
      %scan3A_51 = arith.constant 10 : i32
    }
    %scan3A_9 = arith.constant 4 : i32
    %barrier3A_10 = arith.constant 0 : index
    tpu.barrier barrier_id(%barrier3A_10)
    %mul3A_11 = arith.constant 632 : i32
    %mul3A_12 = arith.muli %arg1, %mul3A_11 : i32
    %mul3A_13 = arith.constant 632 : i32
    %mul3A_14 = arith.muli %arg1, %mul3A_13 : i32
    "tpu.region"() ({
      %run_scoped3A = tpu.sem_alloc : memref<!tpu.dma_semaphore, #tpu.memory_space<semaphore_mem>>
      %dma_start3A = arith.constant 0 : i32
      %dma_start3A_15 = tpu.memref_slice %arg6[%arg0, %mul3A_14, %dma_start3A] : memref<2x10112x128xf32, #tpu.memory_space<hbm>> -> memref<1x632x128xf32, #tpu.memory_space<hbm>>
      %dma_start3A_16 = tpu.memref_squeeze %dma_start3A_15 : memref<1x632x128xf32, #tpu.memory_space<hbm>> -> memref<632x128xf32, #tpu.memory_space<hbm>>
      %dma_start3A_17 = arith.constant 0 : i32
      %dma_start3A_18 = tpu.memref_slice %arg7[%mul3A_12, %dma_start3A_17] : memref<10112x128xf32, #tpu.memory_space<vmem_shared>> -> memref<632x128xf32, #tpu.memory_space<vmem_shared>>
      tpu.enqueue_dma source(%dma_start3A_18 : memref<632x128xf32, #tpu.memory_space<vmem_shared>>) target(%dma_start3A_16 : memref<632x128xf32, #tpu.memory_space<hbm>>) target_semaphore(%run_scoped3A : memref<!tpu.dma_semaphore, #tpu.memory_space<semaphore_mem>>)
      %dma_wait3A = arith.constant 0 : i32
      %dma_wait3A_19 = tpu.memref_slice %arg6[%arg0, %mul3A_14, %dma_wait3A] : memref<2x10112x128xf32, #tpu.memory_space<hbm>> -> memref<1x632x128xf32, #tpu.memory_space<hbm>>
      %dma_wait3A_20 = tpu.memref_squeeze %dma_wait3A_19 : memref<1x632x128xf32, #tpu.memory_space<hbm>> -> memref<632x128xf32, #tpu.memory_space<hbm>>
      %dma_wait3A_21 = arith.constant 0 : i32
      %dma_wait3A_22 = tpu.memref_slice %arg7[%mul3A_12, %dma_wait3A_21] : memref<10112x128xf32, #tpu.memory_space<vmem_shared>> -> memref<632x128xf32, #tpu.memory_space<vmem_shared>>
      tpu.wait_dma2 semaphore(%run_scoped3A : memref<!tpu.dma_semaphore, #tpu.memory_space<semaphore_mem>>) src(%dma_wait3A_22 : memref<632x128xf32, #tpu.memory_space<vmem_shared>>) dst(%dma_wait3A_20 : memref<632x128xf32, #tpu.memory_space<hbm>>)
      tpu.yield
    }) : () -> ()
    return
  }
}

module attributes {stable_mosaic.version = 14 : i64} {
  func.func @_scale_body(%arg0: i32, %arg1: memref<1000x128xf32, #tpu.memory_space<vmem>>, %arg2: memref<1000x1xf32, #tpu.memory_space<vmem>>, %arg3: memref<1000x128xf32, #tpu.memory_space<vmem>>) attributes {dimension_semantics = [#tpu.dimension_semantics<arbitrary>], iteration_bounds = array<i64: 10>, scalar_prefetch = 0 : i64, scratch_operands = 0 : i64, tpu.core_type = #tpu.core_type<tc>, window_params = [{transform_indices = @transform_0, window_bounds = array<i64: 1000, 128>}, {transform_indices = @transform_1, window_bounds = array<i64: 1000, 1>}, {transform_indices = @transform_2, window_bounds = array<i64: 1000, 128>}]} {
    %get3A = arith.constant 0 : index
    %get3A_0 = arith.constant 0 : index
    %get3A_1 = vector.load %arg1[%get3A, %get3A_0] : memref<1000x128xf32, #tpu.memory_space<vmem>>, vector<1000x128xf32>
    %get3A_2 = arith.constant 0 : index
    %get3A_3 = arith.constant 0 : index
    %get3A_4 = vector.load %arg2[%get3A_2, %get3A_3] : memref<1000x1xf32, #tpu.memory_space<vmem>>, vector<1000x1xf32>
    %mul3A = vector.broadcast %get3A_4 : vector<1000x1xf32> to vector<1000x128xf32>
    %mul3A_5 = arith.mulf %get3A_1, %mul3A : vector<1000x128xf32>
    %swap3A = arith.constant 0 : index
    %swap3A_6 = arith.constant 0 : index
    %swap3A_7 = vector.load %arg3[%swap3A, %swap3A_6] : memref<1000x128xf32, #tpu.memory_space<vmem>>, vector<1000x128xf32>
    tpu.vector_store %arg3[%swap3A, %swap3A_6], %mul3A_5 {strides = array<i32>} : memref<1000x128xf32, #tpu.memory_space<vmem>>, vector<1000x128xf32>,
    return
  }
  func.func @transform_0(%arg0: i32) -> (i32, i32) {
    %c0_i32 = arith.constant 0 : i32
    %c0_i32_0 = arith.constant 0 : i32
    return %arg0, %c0_i32 : i32, i32
  }
  func.func @transform_1(%arg0: i32) -> (i32, i32) {
    %c0_i32 = arith.constant 0 : i32
    %c0_i32_0 = arith.constant 0 : i32
    return %arg0, %c0_i32 : i32, i32
  }
  func.func @transform_2(%arg0: i32) -> (i32, i32) {
    %c0_i32 = arith.constant 0 : i32
    %c0_i32_0 = arith.constant 0 : i32
    return %arg0, %c0_i32 : i32, i32
  }
}

module attributes {stable_mosaic.version = 14 : i64} {
  func.func @_finish_body(%arg0: i32, %arg1: memref<2x1000x128xf32, #tpu.memory_space<vmem>>, %arg2: memref<1000x1xf32, #tpu.memory_space<vmem>>, %arg3: memref<128x128xf32, #tpu.memory_space<vmem>>, %arg4: memref<1x128xf32, #tpu.memory_space<vmem>>, %arg5: memref<1000x128xf32, #tpu.memory_space<vmem>>) attributes {dimension_semantics = [#tpu.dimension_semantics<arbitrary>], iteration_bounds = array<i64: 10>, scalar_prefetch = 0 : i64, scratch_operands = 0 : i64, tpu.core_type = #tpu.core_type<tc>, window_params = [{transform_indices = @transform_0, window_bounds = array<i64: 2, 1000, 128>}, {transform_indices = @transform_1, window_bounds = array<i64: 1000, 1>}, {pipeline_mode = #tpu.pipeline_mode<synchronous>, transform_indices = @transform_2, window_bounds = array<i64: 128, 128>}, {pipeline_mode = #tpu.pipeline_mode<synchronous>, transform_indices = @transform_3, window_bounds = array<i64: 1, 128>}, {transform_indices = @transform_4, window_bounds = array<i64: 1000, 128>}]} {
    %get3A = arith.constant 0 : index
    %get3A_0 = arith.constant 0 : index
    %get3A_1 = arith.constant 0 : index
    %get3A_2 = vector.load %arg1[%get3A, %get3A_0, %get3A_1] : memref<2x1000x128xf32, #tpu.memory_space<vmem>>, vector<1x1000x128xf32>
    %get3A_3 = vector.shape_cast %get3A_2 : vector<1x1000x128xf32> to vector<1000x128xf32>
    %get3A_4 = arith.constant 1 : index
    %get3A_5 = arith.constant 0 : index
    %get3A_6 = arith.constant 0 : index
    %get3A_7 = vector.load %arg1[%get3A_4, %get3A_5, %get3A_6] : memref<2x1000x128xf32, #tpu.memory_space<vmem>>, vector<1x1000x128xf32>
    %get3A_8 = vector.shape_cast %get3A_7 : vector<1x1000x128xf32> to vector<1000x128xf32>
    %add3A = arith.addf %get3A_3, %get3A_8 : vector<1000x128xf32>
    %get3A_9 = arith.constant 0 : index
    %get3A_10 = arith.constant 0 : index
    %get3A_11 = vector.load %arg2[%get3A_9, %get3A_10] : memref<1000x1xf32, #tpu.memory_space<vmem>>, vector<1000x1xf32>
    %mul3A = vector.broadcast %get3A_11 : vector<1000x1xf32> to vector<1000x128xf32>
    %mul3A_12 = arith.mulf %add3A, %mul3A : vector<1000x128xf32>
    %get3A_13 = arith.constant 0 : index
    %get3A_14 = arith.constant 0 : index
    %get3A_15 = vector.load %arg3[%get3A_13, %get3A_14] : memref<128x128xf32, #tpu.memory_space<vmem>>, vector<128x128xf32>
    %dot_general3A = arith.constant dense<0.000000e+00> : vector<1000x128xf32>
    %dot_general3A_16 = tpu.matmul %mul3A_12, %get3A_15, %dot_general3A {dimension_numbers = #tpu.dot_dimension_numbers<[1], [1], [0], [0], [0, 0, 1, 0], [], []>, transpose_lhs_hint = false} : vector<1000x128xf32>, vector<128x128xf32>, vector<1000x128xf32> -> vector<1000x128xf32>
    %get3A_17 = arith.constant 0 : index
    %get3A_18 = arith.constant 0 : index
    %get3A_19 = vector.load %arg4[%get3A_17, %get3A_18] : memref<1x128xf32, #tpu.memory_space<vmem>>, vector<1x128xf32>
    %add3A_20 = vector.broadcast %get3A_19 : vector<1x128xf32> to vector<1000x128xf32>
    %add3A_21 = arith.addf %dot_general3A_16, %add3A_20 : vector<1000x128xf32>
    %tanh3A = math.tanh %add3A_21 : vector<1000x128xf32>
    %swap3A = arith.constant 0 : index
    %swap3A_22 = arith.constant 0 : index
    %swap3A_23 = vector.load %arg5[%swap3A, %swap3A_22] : memref<1000x128xf32, #tpu.memory_space<vmem>>, vector<1000x128xf32>
    tpu.vector_store %arg5[%swap3A, %swap3A_22], %tanh3A {strides = array<i32>} : memref<1000x128xf32, #tpu.memory_space<vmem>>, vector<1000x128xf32>,
    return
  }
  func.func @transform_0(%arg0: i32) -> (i32, i32, i32) {
    %c0_i32 = arith.constant 0 : i32
    %c0_i32_0 = arith.constant 0 : i32
    %c0_i32_1 = arith.constant 0 : i32
    return %c0_i32, %arg0, %c0_i32_0 : i32, i32, i32
  }
  func.func @transform_1(%arg0: i32) -> (i32, i32) {
    %c0_i32 = arith.constant 0 : i32
    %c0_i32_0 = arith.constant 0 : i32
    return %arg0, %c0_i32 : i32, i32
  }
  func.func @transform_2(%arg0: i32) -> (i32, i32) {
    %c0_i32 = arith.constant 0 : i32
    %c0_i32_0 = arith.constant 0 : i32
    %c0_i32_1 = arith.constant 0 : i32
    return %c0_i32, %c0_i32_0 : i32, i32
  }
  func.func @transform_3(%arg0: i32) -> (i32, i32) {
    %c0_i32 = arith.constant 0 : i32
    %c0_i32_0 = arith.constant 0 : i32
    %c0_i32_1 = arith.constant 0 : i32
    return %c0_i32, %c0_i32_0 : i32, i32
  }
  func.func @transform_4(%arg0: i32) -> (i32, i32) {
    %c0_i32 = arith.constant 0 : i32
    %c0_i32_0 = arith.constant 0 : i32
    return %arg0, %c0_i32 : i32, i32
  }
}

</mosaic_0001>

<sc_bundles>
// kernel: kernel.5.cloned.1.call-start
scs
__scs_entry_jumppad:
0x0: {  	(pc) =	sbr.rel $0x88, $3  }
0x1: {  	(tag) =	ssettag $0x0;
	lr =	simm.s32 $0x1  }
0x2: {  	[smem:$0x3F9C] =	sst lr;
	_ =	strace $0xD0000000  }
0x3: {  	_ = 	snop  }
0x4: {  	_ = 	snop  }
0x5: {  	_ = 	snop  }
0x6: {  	_ = 	snop  }
0x7: {  	_ = 	snop  }
__scs_overlays_trampoline_lowered:
0x8: {  	[smem:$0x3FAB] =	sst s0  }
0x9: {  	[smem:$0x3FAC] =	sst s1  }
0xa: {  	[smem:$0x3FAD] =	sst s2  }
0xb: {  	[smem:$0x3FAE] =	sst s3  }
0xc: {  	[smem:$0x3FAF] =	sst s4  }
0xd: {  	[smem:$0x3FB0] =	sst s5  }
0xe: {  	[smem:$0x3FB1] =	sst s6  }
0xf: {  	[smem:$0x3FB2] =	sst s7  }
0x10: {  	[smem:$0x3FB3] =	sst s8  }
0x11: {  	[smem:$0x3FB4] =	sst s9;
	s0 =	simm.s32 @!p0 $0x0  }
0x12: {  	s1 =	sld [smem:$0x3F9A];
	s0 =	simm.s32 @p0 $0x1  }
0x13: {  	[smem:$0x3FB5] =	sst s0;
	s0 =	simm.s32 @!p1 $0x0  }
0x14: {  	s2 =	sld [smem:$0x3F99];
	s0 =	simm.s32 @p1 $0x1  }
0x15: {  	[smem:$0x3FB6] =	sst s0;
	s0 =	simm.s32 @!p2 $0x0  }
0x16: {  	s3 =	sld [smem:$0x3FDB];
	s0 =	simm.s32 @p2 $0x1  }
0x17: {  	s4 =	simm.s32 $0x1BF5;
	[smem:$0x3FB8] =	sst s0  }
0x18: {  	s0 =	sld [smem:$0x3F9B];
	_ =	swait.ge [sflag:s4], $0x0  }
0x19: {  	s7 =	sld [smem:$0x3F9C]  }
0x1a: {  	s8 =	sadd.s32 $0xFFFFE003, lr  }
0x1b: {  	s9 =	sadd.s32 $0xFFFFFEF7, lr;
	s5 =	simm.s32 $0xFFFFFFFF;
	p2 =	slt.u32 s8, $0xFFFFF086  }
0x1c: {  	p1 =	slt.u32 s9, $0xF7A;
	s5 =	simm.s32 @!p2 $0x0  }
0x1d: {  	s5 =	simm.s32 @p1 $0x1;
	p0 =	seq.s32 s7, s2  }
0x1e: {  	s7 =	smul.u32 @!p0 $0xF7A, s2;
	p2 =	seq.s32 @!p0 s5, $0x0  }
0x1f: {  	s9 =	smul.u32 $0xF7A, s1;
	s8 =	simm.s32 @!p0 $0x1BF5;
	p2 =	por !p2, p0  }
0x20: {  	[sflag:s8] =	ssyncset.s32 @!p0 $0xFFFFF086;
	s6 =	sadd.s32 @!p0 s3, s7;
	s7 =	simm.s32 @!p0 $0x108  }
0x21: {  	s3 =	sadd.s32 s3, s9;
	s6 =	sadd.s32 @!p0 $0x88, s6;
	s7 =	simm.s32 @p2 $0x1082  }
0x22: {  	[simem:s7], [sflag:s8] =	dma.local @!p0 [hbm:s6], $0xF7A  }
0x23: {  	s9 =	sor.u32 $0xD0000000, s2;
	s6 =	simm.s32 $0x108;
	_ =	swait.ge @!p0 [sflag:s8], $0x0  }
0x24: {  	s3 =	sadd.s32 $0x88, s3;
	s6 =	simm.s32 @!p1 $0x1082;
	[sflag:s4] =	ssyncset.s32 $0xFFFFF086  }
0x25: {  	[simem:s6], [sflag:s4] =	dma.local [hbm:s3], $0xF7A  }
0x26: {  	[smem:$0x3F9C] =	sst s1;
	(tag) =	ssettag s2;
	_ =	strace s9  }
0x27: {  	s1 =	sld [smem:$0x3FAC]  }
0x28: {  	s2 =	sld [smem:$0x3FAD]  }
0x29: {  	s4 =	sld [smem:$0x3FAF]  }
0x2a: {  	p0 =	seq.s32 s5, $0x0;
	s5 =	sld [smem:$0x3FB0]  }
0x2b: {  	s6 =	sld [smem:$0x3FB1]  }
0x2c: {  	s7 =	sld [smem:$0x3FB2]  }
0x2d: {  	s3 =	simm.s32 $0x108;
	s8 =	sld [smem:$0x3FB3]  }
0x2e: {  	s3 =	simm.s32 @!p0 $0x1082;
	s9 =	sld [smem:$0x3FB4]  }
0x2f: {  	lr =	sadd.s32 s0, s3;
	s0 =	sld [smem:$0x3FAB]  }
0x30: {  	s3 =	sld [smem:$0x3FAE]  }
0x31: {  	[smem:$0x3FB7] =	sst s10  }
0x32: {  	s10 =	sld [smem:$0x3FB5];
	_ =	sdelay $0x3  }
0x33: {  	p0 =	seq.s32 s10, $0x1;
	s10 =	sld [smem:$0x3FB7];
	_ =	sdelay $0x3  }
0x34: {  	[smem:$0x3FB7] =	sst s10  }
0x35: {  	s10 =	sld [smem:$0x3FB6];
	_ =	sdelay $0x3  }
0x36: {  	p1 =	seq.s32 s10, $0x1;
	s10 =	sld [smem:$0x3FB7];
	_ =	sdelay $0x3  }
0x37: {  	[smem:$0x3FB7] =	sst s10  }
0x38: {  	s10 =	sld [smem:$0x3FB8]  }
0x39: {  	_ = 	snop;
	(pc) =	sbr.ind lr, $3  }
0x3a: {  	_ = 	snop  }
0x3b: {  	_ = 	snop  }
0x3c: {  	p2 =	seq.s32 s10, $0x1;
	s10 =	sld [smem:$0x3FB7]  }
0x3d: {  	_ =	shalt  }
0x3e: {  	_ =	shalt  }
0x3f: {  	_ =	shalt  }
0x40: {  	_ =	shalt  }
0x41: {  	_ =	shalt  }
0x42: {  	_ =	shalt  }
0x43: {  	_ =	shalt  }
0x44: {  	_ =	shalt  }
0x45: {  	_ =	shalt  }
0x46: {  	_ =	shalt  }
0x47: {  	_ =	shalt  }
0x48: {  	_ =	shalt  }
0x49: {  	_ =	shalt  }
0x4a: {  	_ =	shalt  }
0x4b: {  	_ =	shalt  }
0x4c: {  	_ =	shalt  }
0x4d: {  	_ =	shalt  }
0x4e: {  	_ =	shalt  }
0x4f: {  	_ =	shalt  }
0x50: {  	_ =	shalt  }
0x51: {  	_ =	shalt  }
0x52: {  	_ =	shalt  }
0x53: {  	_ =	shalt  }
0x54: {  	_ =	shalt  }
0x55: {  	_ =	shalt  }
0x56: {  	_ =	shalt  }
0x57: {  	_ =	shalt  }
0x58: {  	_ =	shalt  }
0x59: {  	_ =	shalt  }
0x5a: {  	_ =	shalt  }
0x5b: {  	_ =	shalt  }
0x5c: {  	_ =	shalt  }
0x5d: {  	_ =	shalt  }
0x5e: {  	_ =	shalt  }
0x5f: {  	_ =	shalt  }
0x60: {  	_ =	shalt  }
0x61: {  	_ =	shalt  }
0x62: {  	_ =	shalt  }
0x63: {  	_ =	shalt  }
0x64: {  	_ =	shalt  }
0x65: {  	_ =	shalt  }
0x66: {  	_ =	shalt  }
0x67: {  	_ =	shalt  }
0x68: {  	_ =	shalt  }
0x69: {  	_ =	shalt  }
0x6a: {  	_ =	shalt  }
0x6b: {  	_ =	shalt  }
0x6c: {  	_ =	shalt  }
0x6d: {  	_ =	shalt  }
0x6e: {  	_ =	shalt  }
0x6f: {  	_ =	shalt  }
0x70: {  	_ =	shalt  }
0x71: {  	_ =	shalt  }
0x72: {  	_ =	shalt  }
0x73: {  	_ =	shalt  }
0x74: {  	_ =	shalt  }
0x75: {  	_ =	shalt  }
0x76: {  	_ =	shalt  }
0x77: {  	_ =	shalt  }
0x78: {  	_ =	shalt  }
0x79: {  	_ =	shalt  }
0x7a: {  	_ =	shalt  }
0x7b: {  	_ =	shalt  }
0x7c: {  	_ =	shalt  }
0x7d: {  	_ =	shalt  }
0x7e: {  	_ =	shalt  }
0x7f: {  	_ =	shalt  }
0x80: {  	_ =	shalt  }
0x81: {  	_ =	shalt  }
0x82: {  	_ =	shalt  }
0x83: {  	_ =	shalt  }
0x84: {  	_ =	shalt  }
0x85: {  	_ =	shalt  }
0x86: {  	_ =	shalt  }
0x87: {  	_ =	shalt  }
.Lfunc_end0:
.L_simem_size_0:
called_computation_lowered:
.L_overlay_start_0:
0x88: {  	s2 =	sld [smem:$0x3FD9]  }
0x89: {  	s3 =	sld [smem:$0x3FFE];
	_ =	sdelay $0x1  }
0x8a: {  	s1 =	srdreg.scid  }
0x8b: {  	s0 =	sand.u32 $0x1, s1  }
0x8c: {  	s17 =	sshll.u32 s0, $0xA;
	s2 =	sadd.s32 s3, s2  }
0x8d: {  	s2 =	sadd.s32 s2, s17  }
0x8e: {  	[smem:$0x3FC3] =	sst s2  }
0x8f: {  	_ = 	snop  }
0x90: {  	s2 =	sld [smem:$0x3FD0];
	(tm) =	ssettm $0x1  }
0x91: {  	s18 =	sld [smem:$0x3FFB];
	_ =	sdelay $0x3  }
0x92: {  	_ =	strace s18  }
0x93: {  	s3 =	sld [smem:$0x3FFC];
	_ =	sdelay $0x3  }
0x94: {  	_ =	strace s3  }
0x95: {  	s3 =	sld [smem:$0x3FFD];
	_ =	sdelay $0x3  }
0x96: {  	_ =	strace s3  }
0x97: {  	_ =	strace $0x8FFFFFFF  }
0x98: {  	s19 =	sld [smem:$0x3FDB];
	_ =	sdelay $0x1  }
0x99: {  	s4 =	simm.s32 $_scs_section_size  }
0x9a: {  	s5 =	simm.s32 $_size__tile_overlayer_lowered;
	s6 =	simm.s32 $_tile_overlayer_lowered  }
0x9b: {  	s22 =	simm.s32 $0x1BFF;
	s21 =	sshll.u32 s6, $0x1;
	s3 =	sadd.s32 s4, s19  }
0x9c: {  	s7 =	simm.s32 $0x0;
	s20 =	sshll.u32 s5, $0x1;
	s5 =	sadd.s32 s21, s3  }
0x9d: {  	[timem:s7], [sflag:s22] =	dma.local [hbm:s5], s20  }
0x9e: {  	_ =	swait.ge [sflag:s22], s20  }
0x9f: {  	s4 =	ssub.s32 $0x0, s20;
	[sflag:s22] =	ssyncset.done $0x0  }
0xa0: {  	[sflag:s22] =	ssyncadd.s32 s4;
	_ =	sdelay $0x1  }
0xa1: {  	s23 =	simm.s32 $0x1B8B  }
0xa2: {  	_ =	swait.ge [sflag:s23], $0x1  }
0xa3: {  	[sflag:s23] =	ssyncset.done $0x0  }
0xa4: {  	s25 =	simm.s32 $0x1B8E;
	s24 =	sld [smem:$0x3FFE];
	[sflag:s23] =	ssyncadd.s32 $0xFFFFFFFF  }
0xa5: {  	s26 =	simm.s32 $execute0_lowered;
	[smem:$0x3FD2] =	sst s25  }
0xa6: {  	s5 =	sshll.u32 s26, $0x1;
	_ =	strace $0x80000046;
	[dreg:$0x1] =	wrdreg $0xFFFFFFFF  }
0xa7: {  	s28 =	simm.s32 $_size_execute0_lowered;
	s3 =	sadd.s32 s3, s5;
	[dreg:$0x0] =	wrdreg $0x0  }
0xa8: {  	s5 =	sshll.u32 s28, $0x1;
	[dreg:$0x2] =	wrdreg s3  }
0xa9: {  	[dreg:$0x3] =	wrdreg s5  }
0xaa: {  	[dreg:$0x4] =	wrdreg $0xC0  }
0xab: {  	_ =	task [dreg:s7], $0x5FFFF  }
0xac: {  	[dreg:$0x1] =	wrdreg $0xFFFFFFFF  }
0xad: {  	[dreg:$0x0] =	wrdreg $0x60  }
0xae: {  	[dreg:$0x2] =	wrdreg s2  }
0xaf: {  	[dreg:$0x3] =	wrdreg s24  }
0xb0: {  	[dreg:$0x4] =	wrdreg $0x0  }
0xb1: {  	[dreg:$0x5] =	wrdreg $0x9  }
0xb2: {  	_ =	task.clear_ibuf [dreg:s7], $0x6FFFF;
	_ =	strace $0x90000046  }
0xb3: {  	s29 =	simm.s32 $0x9;
	_ =	strace $0x80000048  }
0xb4: {  	_ =	swait.ge [sflag:s29], $0x1  }
0xb5: {  	[sflag:s29] =	ssyncadd.s32 $0xFFFFFFFF  }
0xb6: {  	_ =	strace $0x90000048  }
0xb7: {  	_ =	sfence  }
0xb8: {  	s30 =	sld [smem:$0x0];
	_ =	sdelay $0x2  }
0xb9: {  	s31 =	sshll.u32 s1, $0xD;
	s1 =	sshrl.u32 s1, $0x2  }
0xba: {  	s3 =	sand.u32 $0x4000, s31;
	s1 =	sadd.s32 s1, s30  }
0xbb: {  	s0 =	sor.u32 s3, s0;
	s1 =	sshll.u32 s1, $0x11  }
0xbc: {  	s0 =	sor.u32 s1, s0  }
0xbd: {  	s0 =	sadd.s32 $0x8F2B, s0  }
0xbe: {  	[sflag:s0] =	ssyncadd.remote.s32 $0x1  }
0xbf: {  	_ =	sfence.sel $0xFFFF  }
0xc0: {  	[dreg:$0x0] =	wrdreg $0xFFFFFFFF;
	(pc) =	sbr.abs _section_cstart, $3  }
0xc1: {  	[dreg:$0x1] =	wrdreg $0xFFFFFFFF  }
0xc2: {  	_ =	task.clear_ibuf [dreg:s7], $0x2FFFF;
	_ =	strace $0x9FFFFFFF  }
0xc3: {  	(tm) =	ssettm $0x7FFFFFFF  }
tec
execute0_lowered:
.L_overlay_start_1:
0x0: {  	(tag) =	ssettag $0x1  }
0x1: {  	s1 =	rddreg [dreg:$0x0]  }
0x2: {  	s0 =	rddreg [dreg:$0x1]  }
0x3: {  	s2 =	rddreg [dreg:$0x2];
	s3 =	srdreg.scid  }
0x4: {  	s12 =	simm.s32 $0x0;
	s9 =	stileid.u32;
	s13 =	simm.s32 $0x9  }
0x5: {  	s14 =	simm.s32 $0x13C00;
	s16 =	simm.s32 $0x40;
	s17 =	simm.s32 $0x16400  }
0x6: {  	s18 =	simm.s32 $0x13C80;
	s19 =	simm.s32 $0x18400;
	s28 =	simm.s32 $0x4  }
0x7: {  	s29 =	simm.s32 $0x5;
	s30 =	simm.s32 $0x6;
	s31 =	simm.s32 $0x7  }
0x8: {  	s10 =	simm.s32 $0x16300;
	s11 =	simm.s32 $0x16380;
	s3 =	sand.u32 $0x1, s3  }
0x9: {  	[smem:$0x7FF] =	sst s12;
	s7 =	smul.u32 $0x13C00, s9;
	s5 =	sadd.s32 $0x1000, s0  }
0xa: {  	s6 =	sadd.s32 $0x15000, s0;
	s8 =	sadd.s32 $0x29000, s0;
	s21 =	smul.u32 $0x4F000, s9  }
0xb: {  	s25 =	sshll.u32 s9, $0x6;
	s4 =	smul.u32 $0x13C000, s3;
	_ =	strace $0x80000047  }
0xc: {  	[dreg:$0x5] =	wrdreg s8;
	s20 =	ssub.s32 $0x2, s3;
	s3 =	sshll.u32 s3, $0x4  }
0xd: {  	s22 =	sshrl.u32 s20, $0x1;
	s3 =	sor.u32 s9, s3;
	s23 =	sshrl.u32 s21, $0x2  }
0xe: {  	s9 =	sor.u32 $0x1C09, s25;
	s21 =	simm.s32 $0x1A400;
	s25 =	simm.s32 $0x2  }
0xf: {  	s4 =	sadd.s32 s7, s4;
	s8 =	smul.u32 $0xA0, s3;
	s24 =	sadd.s32 s23, s2  }
0x10: {  	s23 =	simm.s32 $0x1C400;
	s3 =	simm.s32 $0x16200;
	s7 =	simm.s32 $0x16280  }
0x11: {  	[dreg:$0x6] =	wrdreg s9;
	s4 =	sshrl.u32 s4, $0x3;
	s15 =	sshrl.u32 s24, $0x3  }
0x12: {  	s24 =	simm.s32 $0x1;
	s0 =	sadd.s32 s4, s0;
	s4 =	ssub.s32 s20, s22  }
0x13: {  	s20 =	simm.s32 $0x13D00;
	[dreg:$0x9] =	wrdreg s15;
	s0 =	sadd.s32 $0x2B800, s0  }
0x14: {  	s22 =	simm.s32 $0x13D80;
	s26 =	smax.u32 s4, $0x1;
	[dreg:$0x7] =	wrdreg s0  }
0x15: {  	[dreg:$0x8] =	wrdreg s26;
	s26 =	simm.s32 $0x3;
	s0 =	simm.s32 $0x8  }
.LBB2_1:
0x16: {  	[dreg:$0x4] =	wrdreg s12  }
0x17: {  	s4 =	rddreg [dreg:$0x5]  }
0x18: {  	[spmem:s15], [sflag:s9] =	dma.local [hbm:s4], $0x2780  }
0x19: {  	_ =	swait.ge [sflag:s13], $0x2780  }
0x1a: {  	[sflag:s13] =	ssyncset.done $0x0  }
0x1b: {  	[sflag:s13] =	ssyncadd.s32 $0xFFFFD880  }
0x1c: {  	s9 =	simm.s32 $0x0;
	[bflag:$0x0] =	sbarrier.arrive $0xFFFF  }
.LBB2_2:
0x1d: {  	s4 =	smul.u32 $0x28, s9;
	_ =	sdelay $0x1  }
0x1e: {  	s4 =	sadd.s32 s8, s4  }
0x1f: {  	s4 =	sshll.u32 s4, $0x4  }
0x20: {  	s15 =	simm.s32 $0x0;
	s12 =	sadd.s32 s5, s4  }
0x21: {  	[tilespmem:s14], [sflag:$0x9] =	stream.linear.gather [hbm4b:s12+s15], $0x1400, $0x38;
	[tilespmem:$0x1E400] =	vst v63  }
0x22: {  	_ =	swait.ge [sflag:s13], $0x1400  }
0x23: {  	[sflag:s13] =	ssyncset.done $0x0  }
0x24: {  	s4 =	sadd.s32 s6, s4;
	s12 =	simm.s32 $0x15000;
	[sflag:s13] =	ssyncadd.s32 $0xFFFFEC00  }
0x25: {  	[tilespmem:s12], [sflag:$0x9] =	stream.linear.gather [hbm4b:s4+s15], $0x1400, $0x38;
	[tilespmem:$0x1E400] =	vst v63  }
0x26: {  	_ =	swait.ge [sflag:s13], $0x1400  }
0x27: {  	[sflag:s13] =	ssyncset.done $0x0  }
0x28: {  	[sflag:s13] =	ssyncadd.s32 $0xFFFFEC00  }
0x29: {  	[tilespmem:s17], [sflag:$0x1] =	stream.indirect.gather [hbm4b:s1+s16], $0x80, s14, s16, $0xb8;
	[tilespmem:$0x1E400] =	vst v63  }
0x2a: {  	_ = 	snop  }
0x2b: {  	[tilespmem:s19], [sflag:$0x2] =	stream.indirect.gather [hbm4b:s1+s16], $0x80, s18, s16, $0xb8;
	[tilespmem:$0x1E400] =	vst v63  }
0x2c: {  	_ = 	snop  }
0x2d: {  	[tilespmem:s21], [sflag:$0x3] =	stream.indirect.gather [hbm4b:s1+s16], $0x80, s20, s16, $0xb8;
	[tilespmem:$0x1E400] =	vst v63  }
0x2e: {  	_ = 	snop  }
0x2f: {  	[tilespmem:s23], [sflag:$0x4] =	stream.indirect.gather [hbm4b:s1+s16], $0x80, s22, s16, $0xb8;
	[tilespmem:$0x1E400] =	vst v63  }
0x30: {  	_ =	swait.ge [sflag:s24], $0x2000  }
0x31: {  	[sflag:s24] =	ssyncset.done $0x0  }
0x32: {  	s15 =	simm.s32 $0x15000;
	[sflag:s24] =	ssyncadd.s32 $0xFFFFE000  }
0x33: {  	[spmem:s2] =	stream.indirect.scatter.add.f32 [tilespmem:s17], [sflag:$0x5], $0x80, s15, s16, $0xb8;
	[tilespmem:$0x1E400] =	vst v63  }
0x34: {  	_ =	swait.ge [sflag:s25], $0x2000  }
0x35: {  	[sflag:s25] =	ssyncset.done $0x0  }
0x36: {  	s12 =	simm.s32 $0x15080;
	[sflag:s25] =	ssyncadd.s32 $0xFFFFE000  }
0x37: {  	[spmem:s2] =	stream.indirect.scatter.add.f32 [tilespmem:s19], [sflag:$0x6], $0x80, s12, s16, $0xb8;
	[tilespmem:$0x1E400] =	vst v63  }
0x38: {  	_ =	swait.ge [sflag:s26], $0x2000  }
0x39: {  	[sflag:s26] =	ssyncset.done $0x0  }
0x3a: {  	s15 =	simm.s32 $0x15100;
	[sflag:s26] =	ssyncadd.s32 $0xFFFFE000  }
0x3b: {  	[spmem:s2] =	stream.indirect.scatter.add.f32 [tilespmem:s21], [sflag:$0x7], $0x80, s15, s16, $0xb8;
	[tilespmem:$0x1E400] =	vst v63  }
0x3c: {  	_ =	swait.ge [sflag:s28], $0x2000  }
0x3d: {  	[sflag:s28] =	ssyncset.done $0x0  }
0x3e: {  	s12 =	simm.s32 $0x15180;
	[sflag:s28] =	ssyncadd.s32 $0xFFFFE000  }
0x3f: {  	[spmem:s2] =	stream.indirect.scatter.add.f32 [tilespmem:s23], [sflag:$0x8], $0x80, s12, s16, $0xb8;
	[tilespmem:$0x1E400] =	vst v63  }
0x40: {  	_ =	swait.ge [sflag:s29], $0x2000  }
0x41: {  	[sflag:s29] =	ssyncset.done $0x0  }
0x42: {  	s15 =	simm.s32 $0x13E00;
	[sflag:s29] =	ssyncadd.s32 $0xFFFFE000  }
0x43: {  	[tilespmem:s17], [sflag:$0x1] =	stream.indirect.gather [hbm4b:s1+s16], $0x80, s15, s16, $0xb8;
	[tilespmem:$0x1E400] =	vst v63  }
0x44: {  	_ =	swait.ge [sflag:s30], $0x2000  }
0x45: {  	[sflag:s30] =	ssyncset.done $0x0  }
0x46: {  	s12 =	simm.s32 $0x13E80;
	[sflag:s30] =	ssyncadd.s32 $0xFFFFE000  }
0x47: {  	[tilespmem:s19], [sflag:$0x2] =	stream.indirect.gather [hbm4b:s1+s16], $0x80, s12, s16, $0xb8;
	[tilespmem:$0x1E400] =	vst v63  }
0x48: {  	_ =	swait.ge [sflag:s31], $0x2000  }
0x49: {  	[sflag:s31] =	ssyncset.done $0x0  }
0x4a: {  	s15 =	simm.s32 $0x13F00;
	[sflag:s31] =	ssyncadd.s32 $0xFFFFE000  }
0x4b: {  	[tilespmem:s21], [sflag:$0x3] =	stream.indirect.gather [hbm4b:s1+s16], $0x80, s15, s16, $0xb8;
	[tilespmem:$0x1E400] =	vst v63  }
0x4c: {  	_ =	swait.ge [sflag:s0], $0x2000  }
0x4d: {  	[sflag:s0] =	ssyncset.done $0x0  }
0x4e: {  	s4 =	simm.s32 $0x13F80;
	s12 =	simm.s32 $0x800;
	[sflag:s0] =	ssyncadd.s32 $0xFFFFE000  }
.LBB2_3:
0x4f: {  	[tilespmem:s23], [sflag:$0x4] =	stream.indirect.gather [hbm4b:s1+s16], $0x80, s4, s16, $0xb8;
	[tilespmem:$0x1E400] =	vst v63  }
0x50: {  	s4 =	smov.u32 s12  }
0x51: {  	p0 =	sne.s32 s12, $0x4000;
	s12 =	sadd.s32 $0x800, s12;
	_ =	swait.ge [sflag:s24], $0x2000  }
0x52: {  	s4 =	sshra.s32 s4, $0x2;
	[sflag:s24] =	ssyncset.done $0x0  }
0x53: {  	s15 =	sadd.s32 $0x15000, s4;
	[sflag:s24] =	ssyncadd.s32 $0xFFFFE000  }
0x54: {  	[spmem:s2] =	stream.indirect.scatter.add.f32 [tilespmem:s17], [sflag:$0x5], $0x80, s15, s16, $0xb8;
	[tilespmem:$0x1E400] =	vst v63  }
0x55: {  	_ =	swait.ge [sflag:s25], $0x2000  }
0x56: {  	[sflag:s25] =	ssyncset.done $0x0  }
0x57: {  	s15 =	sadd.s32 $0x15080, s4;
	[sflag:s25] =	ssyncadd.s32 $0xFFFFE000  }
0x58: {  	[spmem:s2] =	stream.indirect.scatter.add.f32 [tilespmem:s19], [sflag:$0x6], $0x80, s15, s16, $0xb8;
	[tilespmem:$0x1E400] =	vst v63  }
0x59: {  	_ =	swait.ge [sflag:s26], $0x2000  }
0x5a: {  	[sflag:s26] =	ssyncset.done $0x0  }
0x5b: {  	s15 =	sadd.s32 $0x15100, s4;
	[sflag:s26] =	ssyncadd.s32 $0xFFFFE000  }
0x5c: {  	[spmem:s2] =	stream.indirect.scatter.add.f32 [tilespmem:s21], [sflag:$0x7], $0x80, s15, s16, $0xb8;
	[tilespmem:$0x1E400] =	vst v63  }
0x5d: {  	_ =	swait.ge [sflag:s28], $0x2000  }
0x5e: {  	[sflag:s28] =	ssyncset.done $0x0  }
0x5f: {  	s15 =	sadd.s32 $0x15180, s4;
	[sflag:s28] =	ssyncadd.s32 $0xFFFFE000  }
0x60: {  	[spmem:s2] =	stream.indirect.scatter.add.f32 [tilespmem:s23], [sflag:$0x8], $0x80, s15, s16, $0xb8;
	[tilespmem:$0x1E400] =	vst v63  }
0x61: {  	_ =	swait.ge [sflag:s29], $0x2000  }
0x62: {  	[sflag:s29] =	ssyncset.done $0x0  }
0x63: {  	s15 =	sadd.s32 $0x13E00, s4;
	[sflag:s29] =	ssyncadd.s32 $0xFFFFE000  }
0x64: {  	[tilespmem:s17], [sflag:$0x1] =	stream.indirect.gather [hbm4b:s1+s16], $0x80, s15, s16, $0xb8;
	[tilespmem:$0x1E400] =	vst v63  }
0x65: {  	_ =	swait.ge [sflag:s30], $0x2000  }
0x66: {  	[sflag:s30] =	ssyncset.done $0x0  }
0x67: {  	s15 =	sadd.s32 $0x13E80, s4;
	[sflag:s30] =	ssyncadd.s32 $0xFFFFE000  }
0x68: {  	[tilespmem:s19], [sflag:$0x2] =	stream.indirect.gather [hbm4b:s1+s16], $0x80, s15, s16, $0xb8;
	[tilespmem:$0x1E400] =	vst v63  }
0x69: {  	_ =	swait.ge [sflag:s31], $0x2000  }
0x6a: {  	[sflag:s31] =	ssyncset.done $0x0  }
.Ltmp0:
0x6b: {  	s15 =	sadd.s32 $0x13F00, s4;
	[sflag:s31] =	ssyncadd.s32 $0xFFFFE000;
	(pc) =	sbr.rel @p0 .LBB2_3-.Ltmp0, $4  }
0x6c: {  	[tilespmem:s21], [sflag:$0x3] =	stream.indirect.gather [hbm4b:s1+s16], $0x80, s15, s16, $0xb8;
	[tilespmem:$0x1E400] =	vst v63  }
0x6d: {  	_ =	swait.ge [sflag:s0], $0x2000  }
0x6e: {  	[sflag:s0] =	ssyncset.done $0x0  }
0x6f: {  	s4 =	sadd.s32 $0x13F80, s4;
	[sflag:s0] =	ssyncadd.s32 $0xFFFFE000  }
0x70: {  	[tilespmem:s23], [sflag:$0x4] =	stream.indirect.gather [hbm4b:s1+s16], $0x80, s4, s16, $0xb8;
	[tilespmem:$0x1E400] =	vst v63  }
0x71: {  	_ =	swait.ge [sflag:s24], $0x2000  }
0x72: {  	[sflag:s24] =	ssyncset.done $0x0  }
0x73: {  	[sflag:s24] =	ssyncadd.s32 $0xFFFFE000  }
0x74: {  	[spmem:s2] =	stream.indirect.scatter.add.f32 [tilespmem:s17], [sflag:$0x5], $0x80, s3, s16, $0xb8;
	[tilespmem:$0x1E400] =	vst v63  }
0x75: {  	_ =	swait.ge [sflag:s25], $0x2000  }
0x76: {  	[sflag:s25] =	ssyncset.done $0x0  }
0x77: {  	[sflag:s25] =	ssyncadd.s32 $0xFFFFE000  }
0x78: {  	[spmem:s2] =	stream.indirect.scatter.add.f32 [tilespmem:s19], [sflag:$0x6], $0x80, s7, s16, $0xb8;
	[tilespmem:$0x1E400] =	vst v63  }
0x79: {  	_ =	swait.ge [sflag:s26], $0x2000  }
0x7a: {  	[sflag:s26] =	ssyncset.done $0x0  }
0x7b: {  	[sflag:s26] =	ssyncadd.s32 $0xFFFFE000  }
0x7c: {  	[spmem:s2] =	stream.indirect.scatter.add.f32 [tilespmem:s21], [sflag:$0x7], $0x80, s10, s16, $0xb8;
	[tilespmem:$0x1E400] =	vst v63  }
0x7d: {  	_ =	swait.ge [sflag:s28], $0x2000  }
0x7e: {  	[sflag:s28] =	ssyncset.done $0x0  }
0x7f: {  	[sflag:s28] =	ssyncadd.s32 $0xFFFFE000  }
0x80: {  	[spmem:s2] =	stream.indirect.scatter.add.f32 [tilespmem:s23], [sflag:$0x8], $0x80, s11, s16, $0xb8;
	[tilespmem:$0x1E400] =	vst v63  }
0x81: {  	_ =	swait.ge [sflag:s29], $0x2000  }
0x82: {  	[sflag:s29] =	ssyncset.done $0x0  }
0x83: {  	[sflag:s29] =	ssyncadd.s32 $0xFFFFE000  }
0x84: {  	_ =	swait.ge [sflag:s30], $0x2000  }
0x85: {  	[sflag:s30] =	ssyncset.done $0x0  }
0x86: {  	s9 =	sadd.s32 $0x1, s9;
	[sflag:s30] =	ssyncadd.s32 $0xFFFFE000  }
0x87: {  	p0 =	sne.s32 s9, $0x4;
	_ =	swait.ge [sflag:s31], $0x2000  }
.Ltmp1:
0x88: {  	[sflag:s31] =	ssyncset.done $0x0;
	(pc) =	sbr.rel @p0 .LBB2_2-.Ltmp1, $4  }
0x89: {  	[sflag:s31] =	ssyncadd.s32 $0xFFFFE000  }
0x8a: {  	_ =	swait.ge [sflag:s0], $0x2000  }
0x8b: {  	[sflag:s0] =	ssyncset.done $0x0  }
0x8c: {  	[sflag:s0] =	ssyncadd.s32 $0xFFFFE000  }
0x8d: {  	[bflag:$0x0] =	sbarrier.arrive $0xFFFF  }
0x8e: {  	s9 =	rddreg [dreg:$0x6]  }
0x8f: {  	s4 =	rddreg [dreg:$0x7]  }
0x90: {  	s15 =	rddreg [dreg:$0x9]  }
0x91: {  	[hbm:s4], [sflag:s9] =	dma.local [spmem:s15], $0x2780  }
0x92: {  	_ =	swait.ge [sflag:s13], $0x2780  }
0x93: {  	s12 =	rddreg [dreg:$0x4]  }
0x94: {  	s4 =	rddreg [dreg:$0x8];
	s12 =	sadd.s32 $0x1, s12  }
0x95: {  	p0 =	sne.s32 s12, s4  }
.Ltmp2:
0x96: {  	_ = 	snop;
	(pc) =	sbr.rel @p0 .LBB2_1-.Ltmp2, $3  }
0x97: {  	_ =	sdelay $0x1  }
0x98: {  	[sflag:s13] =	ssyncset.done $0x0  }
0x99: {  	[sflag:s13] =	ssyncadd.s32 $0xFFFFD880  }
0x9a: {  	_ =	sfence.sel $0x180000  }
0x9b: {  	[bflag:$0x0] =	sbarrier.arrive $0xFFFF  }
0x9c: {  	_ =	strace $0x90000047  }
0x9d: {  	s0 =	stileid.u32;
	[bflag:$0x2] =	sbarrier.arrive $0xFFFF  }
0x9e: {  	p0 =	sne.s32 s0, $0x0;
	s0 =	rddreg [dreg:$0x3]  }
0x9f: {  	s0 =	sadd.s32 @!p0 $0x100000, s0  }
0xa0: {  	[sflag:s0] =	ssyncadd.tile.s32 @!p0 $0x1;
	_ =	shalt  }
.Lfunc_end2:
_tile_overlayer_lowered:
.L_overlay_start_2:
0xa1: {  	(tag) =	ssettag $0x2  }
0xa2: {  	s0 =	rddreg [dreg:$0x0];
	s2 =	stileid.u32  }
0xa3: {  	s1 =	rddreg [dreg:$0x1];
	p0 =	sne.s32 s2, $0x0  }
0xa4: {  	s3 =	rddreg [dreg:$0x2];
	[bflag:$0x3] =	sbarrier.arrive $0xFFFF;
	s2 =	simm.s32 @!p0 $0x1C09  }
0xa5: {  	[timem:s3], [sflag:s2] =	dma.local @!p0 [hbm:s0], s1  }
0xa6: {  	s0 =	simm.s32 @!p0 $0x9  }
0xa7: {  	_ =	swait.ge @!p0 [sflag:s0], s1  }
0xa8: {  	s1 =	ssub.s32 @!p0 $0x0, s1;
	[sflag:s0] =	ssyncset.done @!p0 $0x0  }
0xa9: {  	[sflag:s0] =	ssyncadd.s32 @!p0 s1  }
0xaa: {  	[bflag:$0x3] =	sbarrier.arrive $0xFFFF  }
0xab: {  	_ =	shalt  }

</sc_bundles>
